<compile_context>
chip_gen: v7x
topology: tpu7x:2x2x1
jax: 0.10.2.dev20260603
libtpu: 0.0.44.dev20260713+nightly
codegen_flags: <defaults>
</compile_context>

<pallas_src>
import jax
import jax.numpy as jnp
from jax import lax
from jax.experimental import pallas as pl
from jax.experimental.pallas import tpu as pltpu

_INITIAL_VOCAB = 100000


def _emb_body(idx_smem, emb_in, nemb_in, emb_out, nbuf, tbuf, sem_n, sem_t):
    tok = idx_smem[0]
    exp_row = tok - _INITIAL_VOCAB

    n_in = pltpu.make_async_copy(nemb_in, nbuf, sem_n)
    n_in.start()
    a = (exp_row * 64 // 512) * 512
    e_in = pltpu.make_async_copy(emb_out.at[pl.ds(a, 512)], tbuf, sem_t)
    e_in.start()

    n_in.wait()
    e_in.wait()
    blk = lax.broadcasted_iota(jnp.int32, (512,), 0) // 64
    hit = blk == (exp_row * 64 - a) // 64
    tbuf[...] = jnp.where(hit, nbuf[...], tbuf[...])
    e_out = pltpu.make_async_copy(tbuf, emb_out.at[pl.ds(a, 512)], sem_t)
    e_out.start()
    e_out.wait()


def _cnt_body(idx_smem, usage_in, ctime_in, nemb_in,
              usage_out, ctime_out, row_out,
              nbuf, ubuf, cbuf, sem_n, sem_u, sem_c):
    tok = idx_smem[0]

    n_in = pltpu.make_async_copy(nemb_in, nbuf, sem_n)
    n_in.start()
    au = (tok // 512) * 512
    u_in = pltpu.make_async_copy(usage_out.at[pl.ds(au, 512)], ubuf, sem_u)
    u_in.start()
    c_in = pltpu.make_async_copy(ctime_out.at[pl.ds(au, 512)], cbuf, sem_c)
    c_in.start()

    n_in.wait()
    row_cp = pltpu.make_async_copy(nbuf.at[pl.ds(0, 128)], row_out, sem_n)
    row_cp.start()

    lane = lax.broadcasted_iota(jnp.int32, (512,), 0)
    u_in.wait()
    ubuf[...] = ubuf[...] + (lane == tok - au).astype(jnp.float32)
    u_out = pltpu.make_async_copy(ubuf, usage_out.at[pl.ds(au, 512)], sem_u)
    u_out.start()

    c_in.wait()
    cbuf[...] = jnp.where(lane == tok - au, jnp.float32(jnp.inf), cbuf[...])
    c_out = pltpu.make_async_copy(cbuf, ctime_out.at[pl.ds(au, 512)], sem_c)
    c_out.start()

    row_cp.wait()
    u_out.wait()
    c_out.wait()


def kernel(token_usage, token_creation_time, expanded_embeddings,
           new_embedding, new_token_id):
    idx = jnp.asarray(new_token_id, jnp.int32).reshape(1)
    n_rows, dim = expanded_embeddings.shape
    nemb8 = jnp.tile(new_embedding, 512 // dim)
    emb_flat = expanded_embeddings.reshape(-1)

    expanded = pl.pallas_call(
        _emb_body,
        in_specs=[
            pl.BlockSpec(memory_space=pltpu.SMEM),
            pl.BlockSpec(memory_space=pl.ANY),
            pl.BlockSpec(memory_space=pl.ANY),
        ],
        out_specs=pl.BlockSpec(memory_space=pl.ANY),
        out_shape=jax.ShapeDtypeStruct(emb_flat.shape, jnp.float32),
        input_output_aliases={1: 0},
        scratch_shapes=[
            pltpu.VMEM((512,), jnp.float32),
            pltpu.VMEM((512,), jnp.float32),
            pltpu.SemaphoreType.DMA,
            pltpu.SemaphoreType.DMA,
        ],
    )(idx, emb_flat, nemb8)

    usage, ctime, row = pl.pallas_call(
        _cnt_body,
        in_specs=[
            pl.BlockSpec(memory_space=pltpu.SMEM),
            pl.BlockSpec(memory_space=pl.ANY),
            pl.BlockSpec(memory_space=pl.ANY),
            pl.BlockSpec(memory_space=pl.ANY),
        ],
        out_specs=[
            pl.BlockSpec(memory_space=pl.ANY),
            pl.BlockSpec(memory_space=pl.ANY),
            pl.BlockSpec(memory_space=pl.ANY),
        ],
        out_shape=[
            jax.ShapeDtypeStruct(token_usage.shape, jnp.float32),
            jax.ShapeDtypeStruct(token_creation_time.shape, jnp.float32),
            jax.ShapeDtypeStruct((128,), jnp.float32),
        ],
        input_output_aliases={1: 0, 2: 1},
        scratch_shapes=[
            pltpu.VMEM((512,), jnp.float32),
            pltpu.VMEM((512,), jnp.float32),
            pltpu.VMEM((512,), jnp.float32),
            pltpu.SemaphoreType.DMA,
            pltpu.SemaphoreType.DMA,
            pltpu.SemaphoreType.DMA,
        ],
    )(idx, token_usage, token_creation_time, nemb8)
    return (row[:dim], expanded.reshape(n_rows, dim), usage, ctime)

# --- scband reference (transcript-rebuilt; emitter-appended) ---
"""Pipeline reference for scband-vocabulary-expander-9234179687015 (READ-ONLY COPY).

The authoritative reference and input builder live on the scoring server;
editing this copy changes nothing except your own understanding.
"""

import jax, jax.numpy as jnp
import numpy as np

INITIAL_VOCAB = 100000
EMBED_DIM = 64
MAX_VOCAB = 1000000
NEW_TOKEN_ID = 500000


def setup_inputs(seed: int = 0) -> dict:
    key = jax.random.key(seed)
    k1, _ = jax.random.split(key)
    # buffers registered in the torch module
    token_usage = jnp.zeros((MAX_VOCAB,), dtype=jnp.float32)
    token_creation_time = jnp.zeros((MAX_VOCAB,), dtype=jnp.float32)
    expanded_embeddings = jnp.zeros((MAX_VOCAB - INITIAL_VOCAB, EMBED_DIM), dtype=jnp.float32)
    # torch does new_embedding = torch.randn(embed_dim) * 0.02 inside the call;
    # we materialize the random draw here for determinism.
    new_embedding = jax.random.normal(k1, (EMBED_DIM,), dtype=jnp.float32) * 0.02
    return {
        "token_usage": token_usage,
        "token_creation_time": token_creation_time,
        "expanded_embeddings": expanded_embeddings,
        "new_embedding": new_embedding,
        "new_token_id": NEW_TOKEN_ID,
    }


def reference(token_usage, token_creation_time, expanded_embeddings, new_embedding, new_token_id):
    # Faithful translation of VocabularyExpander.expand_vocabulary for the case
    # new_token_id >= current_vocab_size (== initial_vocab_size at start).
    expansion_idx = new_token_id - INITIAL_VOCAB
    # scatter-overwrite the neurogenesis embedding into the expanded table
    expanded = expanded_embeddings.at[expansion_idx].set(new_embedding)
    # mark creation time as inf (scatter-set)
    ctime = token_creation_time.at[new_token_id].set(jnp.inf)
    # increment usage counter (scatter-add)
    usage = token_usage.at[new_token_id].add(1.0)
    # torch returns the newly written embedding row
    out = expanded[expansion_idx]
    return (out, expanded, usage, ctime)

if __name__ == "__main__":
    import jax
    _d = setup_inputs()
    print(jax.jit(kernel)(*tuple(_d.values())))

</pallas_src>

<mosaic_0001>
module attributes {stable_mosaic.version = 14 : i64} {
  func.func @_emb_body(%arg0: memref<1xi32, #tpu.memory_space<smem>>, %arg1: memref<57600000xf32, #tpu.memory_space<any>>, %arg2: memref<512xf32, #tpu.memory_space<any>>, %arg3: memref<57600000xf32, #tpu.memory_space<any>>, %arg4: memref<512xf32, #tpu.memory_space<vmem>>, %arg5: memref<512xf32, #tpu.memory_space<vmem>>, %arg6: memref<!tpu.dma_semaphore, #tpu.memory_space<semaphore_mem>>, %arg7: memref<!tpu.dma_semaphore, #tpu.memory_space<semaphore_mem>>) attributes {dimension_semantics = [], scalar_prefetch = 0 : i64, scratch_operands = 4 : i64, tpu.core_type = #tpu.core_type<tc>} {
    %get3A = arith.constant 0 : index
    %get3A_0 = memref.load %arg0[%get3A] : memref<1xi32, #tpu.memory_space<smem>>
    %sub3A = arith.constant 100000 : i32
    %sub3A_1 = arith.subi %get3A_0, %sub3A : i32
    tpu.enqueue_dma source(%arg2 : memref<512xf32, #tpu.memory_space<any>>) target(%arg4 : memref<512xf32, #tpu.memory_space<vmem>>) target_semaphore(%arg6 : memref<!tpu.dma_semaphore, #tpu.memory_space<semaphore_mem>>)
    %mul3A = arith.constant 64 : i32
    %mul3A_2 = arith.muli %sub3A_1, %mul3A : i32
    %jit3A = arith.constant 512 : i32
    %div3A = arith.divsi %mul3A_2, %jit3A : i32
    %sign3A = arith.constant 0 : i32
    %sign3A_3 = arith.cmpi sgt, %mul3A_2, %sign3A : i32
    %sign3A_4 = arith.extui %sign3A_3 : i1 to i32
    %sign3A_5 = arith.constant 0 : i32
    %sign3A_6 = arith.cmpi slt, %mul3A_2, %sign3A_5 : i32
    %sign3A_7 = arith.extui %sign3A_6 : i1 to i32
    %sign3A_8 = arith.subi %sign3A_4, %sign3A_7 : i32
    %sign3A_9 = arith.constant 0 : i32
    %sign3A_10 = arith.cmpi sgt, %jit3A, %sign3A_9 : i32
    %sign3A_11 = arith.extui %sign3A_10 : i1 to i32
    %sign3A_12 = arith.constant 0 : i32
    %sign3A_13 = arith.cmpi slt, %jit3A, %sign3A_12 : i32
    %sign3A_14 = arith.extui %sign3A_13 : i1 to i32
    %sign3A_15 = arith.subi %sign3A_11, %sign3A_14 : i32
    %ne3A = arith.cmpi ne, %sign3A_8, %sign3A_15 : i32
    %rem3A = arith.remsi %mul3A_2, %jit3A : i32
    %ne3A_16 = arith.constant 0 : i32
    %ne3A_17 = arith.cmpi ne, %rem3A, %ne3A_16 : i32
    %and3A = arith.andi %ne3A, %ne3A_17 : i1
    %sub3A_18 = arith.constant 1 : i32
    %sub3A_19 = arith.subi %div3A, %sub3A_18 : i32
    %select_n3A = arith.select %and3A, %sub3A_19, %div3A : i32
    %mul3A_20 = arith.constant 512 : i32
    %mul3A_21 = arith.muli %select_n3A, %mul3A_20 : i32
    %dma_start3A = tpu.memref_slice %arg3[%mul3A_21] : memref<57600000xf32, #tpu.memory_space<any>> -> memref<512xf32, #tpu.memory_space<any>>
    tpu.enqueue_dma source(%dma_start3A : memref<512xf32, #tpu.memory_space<any>>) target(%arg5 : memref<512xf32, #tpu.memory_space<vmem>>) target_semaphore(%arg7 : memref<!tpu.dma_semaphore, #tpu.memory_space<semaphore_mem>>)
    tpu.wait_dma2 semaphore(%arg6 : memref<!tpu.dma_semaphore, #tpu.memory_space<semaphore_mem>>) src(%arg2 : memref<512xf32, #tpu.memory_space<any>>) dst(%arg4 : memref<512xf32, #tpu.memory_space<vmem>>)
    %dma_wait3A = tpu.memref_slice %arg3[%mul3A_21] : memref<57600000xf32, #tpu.memory_space<any>> -> memref<512xf32, #tpu.memory_space<any>>
    tpu.wait_dma2 semaphore(%arg7 : memref<!tpu.dma_semaphore, #tpu.memory_space<semaphore_mem>>) src(%dma_wait3A : memref<512xf32, #tpu.memory_space<any>>) dst(%arg5 : memref<512xf32, #tpu.memory_space<vmem>>)
    %iota3A = tpu.iota {dimensions = array<i32: 1>} : vector<1x512xi32>
    %iota3A_22 = vector.shape_cast %iota3A : vector<1x512xi32> to vector<512xi32>
    %jit3A_23 = arith.constant 64 : i32
    %div3A_24 = vector.broadcast %jit3A_23 : i32 to vector<512xi32>
    %div3A_25 = arith.divsi %iota3A_22, %div3A_24 : vector<512xi32>
    %sign3A_26 = arith.constant 0 : i32
    %sign3A_27 = vector.broadcast %sign3A_26 : i32 to vector<512xi32>
    %sign3A_28 = arith.cmpi sgt, %iota3A_22, %sign3A_27 : vector<512xi32>
    %sign3A_29 = arith.extui %sign3A_28 : vector<512xi1> to vector<512xi32>
    %sign3A_30 = arith.constant 0 : i32
    %sign3A_31 = vector.broadcast %sign3A_30 : i32 to vector<512xi32>
    %sign3A_32 = arith.cmpi slt, %iota3A_22, %sign3A_31 : vector<512xi32>
    %sign3A_33 = arith.extui %sign3A_32 : vector<512xi1> to vector<512xi32>
    %sign3A_34 = arith.subi %sign3A_29, %sign3A_33 : vector<512xi32>
    %sign3A_35 = arith.constant 0 : i32
    %sign3A_36 = arith.cmpi sgt, %jit3A_23, %sign3A_35 : i32
    %sign3A_37 = arith.extui %sign3A_36 : i1 to i32
    %sign3A_38 = arith.constant 0 : i32
    %sign3A_39 = arith.cmpi slt, %jit3A_23, %sign3A_38 : i32
    %sign3A_40 = arith.extui %sign3A_39 : i1 to i32
    %sign3A_41 = arith.subi %sign3A_37, %sign3A_40 : i32
    %ne3A_42 = vector.broadcast %sign3A_41 : i32 to vector<512xi32>
    %ne3A_43 = arith.cmpi ne, %sign3A_34, %ne3A_42 : vector<512xi32>
    %rem3A_44 = vector.broadcast %jit3A_23 : i32 to vector<512xi32>
    %rem3A_45 = arith.remsi %iota3A_22, %rem3A_44 : vector<512xi32>
    %ne3A_46 = arith.constant 0 : i32
    %ne3A_47 = vector.broadcast %ne3A_46 : i32 to vector<512xi32>
    %ne3A_48 = arith.cmpi ne, %rem3A_45, %ne3A_47 : vector<512xi32>
    %and3A_49 = arith.andi %ne3A_43, %ne3A_48 : vector<512xi1>
    %sub3A_50 = arith.constant 1 : i32
    %sub3A_51 = vector.broadcast %sub3A_50 : i32 to vector<512xi32>
    %sub3A_52 = arith.subi %div3A_25, %sub3A_51 : vector<512xi32>
    %select_n3A_53 = arith.select %and3A_49, %sub3A_52, %div3A_25 : vector<512xi1>, vector<512xi32>
    %mul3A_54 = arith.constant 64 : i32
    %mul3A_55 = arith.muli %sub3A_1, %mul3A_54 : i32
    %sub3A_56 = arith.subi %mul3A_55, %mul3A_21 : i32
    %jit3A_57 = arith.constant 64 : i32
    %div3A_58 = arith.divsi %sub3A_56, %jit3A_57 : i32
    %sign3A_59 = arith.constant 0 : i32
    %sign3A_60 = arith.cmpi sgt, %sub3A_56, %sign3A_59 : i32
    %sign3A_61 = arith.extui %sign3A_60 : i1 to i32
    %sign3A_62 = arith.constant 0 : i32
    %sign3A_63 = arith.cmpi slt, %sub3A_56, %sign3A_62 : i32
    %sign3A_64 = arith.extui %sign3A_63 : i1 to i32
    %sign3A_65 = arith.subi %sign3A_61, %sign3A_64 : i32
    %sign3A_66 = arith.constant 0 : i32
    %sign3A_67 = arith.cmpi sgt, %jit3A_57, %sign3A_66 : i32
    %sign3A_68 = arith.extui %sign3A_67 : i1 to i32
    %sign3A_69 = arith.constant 0 : i32
    %sign3A_70 = arith.cmpi slt, %jit3A_57, %sign3A_69 : i32
    %sign3A_71 = arith.extui %sign3A_70 : i1 to i32
    %sign3A_72 = arith.subi %sign3A_68, %sign3A_71 : i32
    %ne3A_73 = arith.cmpi ne, %sign3A_65, %sign3A_72 : i32
    %rem3A_74 = arith.remsi %sub3A_56, %jit3A_57 : i32
    %ne3A_75 = arith.constant 0 : i32
    %ne3A_76 = arith.cmpi ne, %rem3A_74, %ne3A_75 : i32
    %and3A_77 = arith.andi %ne3A_73, %ne3A_76 : i1
    %sub3A_78 = arith.constant 1 : i32
    %sub3A_79 = arith.subi %div3A_58, %sub3A_78 : i32
    %select_n3A_80 = arith.select %and3A_77, %sub3A_79, %div3A_58 : i32
    %eq3A = vector.broadcast %select_n3A_80 : i32 to vector<512xi32>
    %eq3A_81 = arith.cmpi eq, %select_n3A_53, %eq3A : vector<512xi32>
    %get3A_82 = arith.constant 0 : index
    %get3A_83 = vector.load %arg4[%get3A_82] : memref<512xf32, #tpu.memory_space<vmem>>, vector<512xf32>
    %get3A_84 = arith.constant 0 : index
    %get3A_85 = vector.load %arg5[%get3A_84] : memref<512xf32, #tpu.memory_space<vmem>>, vector<512xf32>
    %select_n3A_86 = arith.select %eq3A_81, %get3A_83, %get3A_85 : vector<512xi1>, vector<512xf32>
    %swap3A = arith.constant 0 : index
    %swap3A_87 = vector.load %arg5[%swap3A] : memref<512xf32, #tpu.memory_space<vmem>>, vector<512xf32>
    tpu.vector_store %arg5[%swap3A], %select_n3A_86 {strides = array<i32>} : memref<512xf32, #tpu.memory_space<vmem>>, vector<512xf32>,
    %dma_start3A_88 = tpu.memref_slice %arg3[%mul3A_21] : memref<57600000xf32, #tpu.memory_space<any>> -> memref<512xf32, #tpu.memory_space<any>>
    tpu.enqueue_dma source(%arg5 : memref<512xf32, #tpu.memory_space<vmem>>) target(%dma_start3A_88 : memref<512xf32, #tpu.memory_space<any>>) target_semaphore(%arg7 : memref<!tpu.dma_semaphore, #tpu.memory_space<semaphore_mem>>)
    %dma_wait3A_89 = tpu.memref_slice %arg3[%mul3A_21] : memref<57600000xf32, #tpu.memory_space<any>> -> memref<512xf32, #tpu.memory_space<any>>
    tpu.wait_dma2 semaphore(%arg7 : memref<!tpu.dma_semaphore, #tpu.memory_space<semaphore_mem>>) src(%arg5 : memref<512xf32, #tpu.memory_space<vmem>>) dst(%dma_wait3A_89 : memref<512xf32, #tpu.memory_space<any>>)
    return
  }
}

module attributes {stable_mosaic.version = 14 : i64} {
  func.func @_cnt_body(%arg0: memref<1xi32, #tpu.memory_space<smem>>, %arg1: memref<1000000xf32, #tpu.memory_space<any>>, %arg2: memref<1000000xf32, #tpu.memory_space<any>>, %arg3: memref<512xf32, #tpu.memory_space<any>>, %arg4: memref<1000000xf32, #tpu.memory_space<any>>, %arg5: memref<1000000xf32, #tpu.memory_space<any>>, %arg6: memref<128xf32, #tpu.memory_space<any>>, %arg7: memref<512xf32, #tpu.memory_space<vmem>>, %arg8: memref<512xf32, #tpu.memory_space<vmem>>, %arg9: memref<512xf32, #tpu.memory_space<vmem>>, %arg10: memref<!tpu.dma_semaphore, #tpu.memory_space<semaphore_mem>>, %arg11: memref<!tpu.dma_semaphore, #tpu.memory_space<semaphore_mem>>, %arg12: memref<!tpu.dma_semaphore, #tpu.memory_space<semaphore_mem>>) attributes {dimension_semantics = [], scalar_prefetch = 0 : i64, scratch_operands = 6 : i64, tpu.core_type = #tpu.core_type<tc>} {
    %get3A = arith.constant 0 : index
    %get3A_0 = memref.load %arg0[%get3A] : memref<1xi32, #tpu.memory_space<smem>>
    tpu.enqueue_dma source(%arg3 : memref<512xf32, #tpu.memory_space<any>>) target(%arg7 : memref<512xf32, #tpu.memory_space<vmem>>) target_semaphore(%arg10 : memref<!tpu.dma_semaphore, #tpu.memory_space<semaphore_mem>>)
    %jit3A = arith.constant 512 : i32
    %div3A = arith.divsi %get3A_0, %jit3A : i32
    %sign3A = arith.constant 0 : i32
    %sign3A_1 = arith.cmpi sgt, %get3A_0, %sign3A : i32
    %sign3A_2 = arith.extui %sign3A_1 : i1 to i32
    %sign3A_3 = arith.constant 0 : i32
    %sign3A_4 = arith.cmpi slt, %get3A_0, %sign3A_3 : i32
    %sign3A_5 = arith.extui %sign3A_4 : i1 to i32
    %sign3A_6 = arith.subi %sign3A_2, %sign3A_5 : i32
    %sign3A_7 = arith.constant 0 : i32
    %sign3A_8 = arith.cmpi sgt, %jit3A, %sign3A_7 : i32
    %sign3A_9 = arith.extui %sign3A_8 : i1 to i32
    %sign3A_10 = arith.constant 0 : i32
    %sign3A_11 = arith.cmpi slt, %jit3A, %sign3A_10 : i32
    %sign3A_12 = arith.extui %sign3A_11 : i1 to i32
    %sign3A_13 = arith.subi %sign3A_9, %sign3A_12 : i32
    %ne3A = arith.cmpi ne, %sign3A_6, %sign3A_13 : i32
    %rem3A = arith.remsi %get3A_0, %jit3A : i32
    %ne3A_14 = arith.constant 0 : i32
    %ne3A_15 = arith.cmpi ne, %rem3A, %ne3A_14 : i32
    %and3A = arith.andi %ne3A, %ne3A_15 : i1
    %sub3A = arith.constant 1 : i32
    %sub3A_16 = arith.subi %div3A, %sub3A : i32
    %select_n3A = arith.select %and3A, %sub3A_16, %div3A : i32
    %mul3A = arith.constant 512 : i32
    %mul3A_17 = arith.muli %select_n3A, %mul3A : i32
    %dma_start3A = tpu.memref_slice %arg4[%mul3A_17] : memref<1000000xf32, #tpu.memory_space<any>> -> memref<512xf32, #tpu.memory_space<any>>
    tpu.enqueue_dma source(%dma_start3A : memref<512xf32, #tpu.memory_space<any>>) target(%arg8 : memref<512xf32, #tpu.memory_space<vmem>>) target_semaphore(%arg11 : memref<!tpu.dma_semaphore, #tpu.memory_space<semaphore_mem>>)
    %dma_start3A_18 = tpu.memref_slice %arg5[%mul3A_17] : memref<1000000xf32, #tpu.memory_space<any>> -> memref<512xf32, #tpu.memory_space<any>>
    tpu.enqueue_dma source(%dma_start3A_18 : memref<512xf32, #tpu.memory_space<any>>) target(%arg9 : memref<512xf32, #tpu.memory_space<vmem>>) target_semaphore(%arg12 : memref<!tpu.dma_semaphore, #tpu.memory_space<semaphore_mem>>)
    tpu.wait_dma2 semaphore(%arg10 : memref<!tpu.dma_semaphore, #tpu.memory_space<semaphore_mem>>) src(%arg3 : memref<512xf32, #tpu.memory_space<any>>) dst(%arg7 : memref<512xf32, #tpu.memory_space<vmem>>)
    %dma_start3A_19 = arith.constant 0 : i32
    %dma_start3A_20 = tpu.memref_slice %arg7[%dma_start3A_19] : memref<512xf32, #tpu.memory_space<vmem>> -> memref<128xf32, #tpu.memory_space<vmem>>
    tpu.enqueue_dma source(%dma_start3A_20 : memref<128xf32, #tpu.memory_space<vmem>>) target(%arg6 : memref<128xf32, #tpu.memory_space<any>>) target_semaphore(%arg10 : memref<!tpu.dma_semaphore, #tpu.memory_space<semaphore_mem>>)
    %iota3A = tpu.iota {dimensions = array<i32: 1>} : vector<1x512xi32>
    %iota3A_21 = vector.shape_cast %iota3A : vector<1x512xi32> to vector<512xi32>
    %dma_wait3A = tpu.memref_slice %arg4[%mul3A_17] : memref<1000000xf32, #tpu.memory_space<any>> -> memref<512xf32, #tpu.memory_space<any>>
    tpu.wait_dma2 semaphore(%arg11 : memref<!tpu.dma_semaphore, #tpu.memory_space<semaphore_mem>>) src(%dma_wait3A : memref<512xf32, #tpu.memory_space<any>>) dst(%arg8 : memref<512xf32, #tpu.memory_space<vmem>>)
    %get3A_22 = arith.constant 0 : index
    %get3A_23 = vector.load %arg8[%get3A_22] : memref<512xf32, #tpu.memory_space<vmem>>, vector<512xf32>
    %sub3A_24 = arith.subi %get3A_0, %mul3A_17 : i32
    %eq3A = vector.broadcast %sub3A_24 : i32 to vector<512xi32>
    %eq3A_25 = arith.cmpi eq, %iota3A_21, %eq3A : vector<512xi32>
    %convert_element_type3A = arith.extui %eq3A_25 : vector<512xi1> to vector<512xi32>
    %convert_element_type3A_26 = arith.sitofp %convert_element_type3A : vector<512xi32> to vector<512xf32>
    %add3A = arith.addf %get3A_23, %convert_element_type3A_26 : vector<512xf32>
    %swap3A = arith.constant 0 : index
    %swap3A_27 = vector.load %arg8[%swap3A] : memref<512xf32, #tpu.memory_space<vmem>>, vector<512xf32>
    tpu.vector_store %arg8[%swap3A], %add3A {strides = array<i32>} : memref<512xf32, #tpu.memory_space<vmem>>, vector<512xf32>,
    %dma_start3A_28 = tpu.memref_slice %arg4[%mul3A_17] : memref<1000000xf32, #tpu.memory_space<any>> -> memref<512xf32, #tpu.memory_space<any>>
    tpu.enqueue_dma source(%arg8 : memref<512xf32, #tpu.memory_space<vmem>>) target(%dma_start3A_28 : memref<512xf32, #tpu.memory_space<any>>) target_semaphore(%arg11 : memref<!tpu.dma_semaphore, #tpu.memory_space<semaphore_mem>>)
    %dma_wait3A_29 = tpu.memref_slice %arg5[%mul3A_17] : memref<1000000xf32, #tpu.memory_space<any>> -> memref<512xf32, #tpu.memory_space<any>>
    tpu.wait_dma2 semaphore(%arg12 : memref<!tpu.dma_semaphore, #tpu.memory_space<semaphore_mem>>) src(%dma_wait3A_29 : memref<512xf32, #tpu.memory_space<any>>) dst(%arg9 : memref<512xf32, #tpu.memory_space<vmem>>)
    %sub3A_30 = arith.subi %get3A_0, %mul3A_17 : i32
    %eq3A_31 = vector.broadcast %sub3A_30 : i32 to vector<512xi32>
    %eq3A_32 = arith.cmpi eq, %iota3A_21, %eq3A_31 : vector<512xi32>
    %get3A_33 = arith.constant 0 : index
    %get3A_34 = vector.load %arg9[%get3A_33] : memref<512xf32, #tpu.memory_space<vmem>>, vector<512xf32>
    %jit3A_35 = arith.constant 0x7F800000 : f32
    %broadcast_in_dim3A = vector.broadcast %jit3A_35 : f32 to vector<512xf32>
    %select_n3A_36 = arith.select %eq3A_32, %broadcast_in_dim3A, %get3A_34 : vector<512xi1>, vector<512xf32>
    %swap3A_37 = arith.constant 0 : index
    %swap3A_38 = vector.load %arg9[%swap3A_37] : memref<512xf32, #tpu.memory_space<vmem>>, vector<512xf32>
    tpu.vector_store %arg9[%swap3A_37], %select_n3A_36 {strides = array<i32>} : memref<512xf32, #tpu.memory_space<vmem>>, vector<512xf32>,
    %dma_start3A_39 = tpu.memref_slice %arg5[%mul3A_17] : memref<1000000xf32, #tpu.memory_space<any>> -> memref<512xf32, #tpu.memory_space<any>>
    tpu.enqueue_dma source(%arg9 : memref<512xf32, #tpu.memory_space<vmem>>) target(%dma_start3A_39 : memref<512xf32, #tpu.memory_space<any>>) target_semaphore(%arg12 : memref<!tpu.dma_semaphore, #tpu.memory_space<semaphore_mem>>)
    %dma_wait3A_40 = arith.constant 0 : i32
    %dma_wait3A_41 = tpu.memref_slice %arg7[%dma_wait3A_40] : memref<512xf32, #tpu.memory_space<vmem>> -> memref<128xf32, #tpu.memory_space<vmem>>
    tpu.wait_dma2 semaphore(%arg10 : memref<!tpu.dma_semaphore, #tpu.memory_space<semaphore_mem>>) src(%dma_wait3A_41 : memref<128xf32, #tpu.memory_space<vmem>>) dst(%arg6 : memref<128xf32, #tpu.memory_space<any>>)
    %dma_wait3A_42 = tpu.memref_slice %arg4[%mul3A_17] : memref<1000000xf32, #tpu.memory_space<any>> -> memref<512xf32, #tpu.memory_space<any>>
    tpu.wait_dma2 semaphore(%arg11 : memref<!tpu.dma_semaphore, #tpu.memory_space<semaphore_mem>>) src(%arg8 : memref<512xf32, #tpu.memory_space<vmem>>) dst(%dma_wait3A_42 : memref<512xf32, #tpu.memory_space<any>>)
    %dma_wait3A_43 = tpu.memref_slice %arg5[%mul3A_17] : memref<1000000xf32, #tpu.memory_space<any>> -> memref<512xf32, #tpu.memory_space<any>>
    tpu.wait_dma2 semaphore(%arg12 : memref<!tpu.dma_semaphore, #tpu.memory_space<semaphore_mem>>) src(%arg9 : memref<512xf32, #tpu.memory_space<vmem>>) dst(%dma_wait3A_43 : memref<512xf32, #tpu.memory_space<any>>)
    return
  }
}

</mosaic_0001>

<sc_bundles>
// kernel: sparse-core-data-format-call.cloned.1.call-start
scs
called_computation_lowered:
.L_overlay_start_0:
0x0: {  	s2 =	sld [smem:$0x3FD9]  }
0x1: {  	s3 =	sld [smem:$0x3FFE];
	_ =	sdelay $0x1  }
0x2: {  	s1 =	srdreg.scid  }
0x3: {  	s0 =	sand.u32 $0x1, s1  }
0x4: {  	s15 =	sshll.u32 s0, $0xA;
	s2 =	sadd.s32 s3, s2  }
0x5: {  	s2 =	sadd.s32 s2, s15  }
0x6: {  	[smem:$0x3FC3] =	sst s2  }
0x7: {  	_ = 	snop  }
0x8: {  	s2 =	sld [smem:$0x3FD0];
	_ =	sdelay $0x2  }
0x9: {  	s16 =	simm.s32 $0xA;
	s4 =	simm.s32 $0x10  }
0xa: {  	[smem:s4], [sflag:s16] =	dma.local [hbm:s2], $0x1  }
0xb: {  	_ =	swait.eq [sflag:s16], $0x1  }
0xc: {  	[sflag:s16] =	ssyncset.done $0x0  }
0xd: {  	[sflag:s16] =	ssyncadd.s32 $0xFFFFFFFF  }
0xe: {  	s17 =	sld [smem:$0x11];
	(tm) =	ssettm $0x1  }
0xf: {  	s18 =	sld [smem:$0x3FFB];
	_ =	sdelay $0x3  }
0x10: {  	_ =	strace s18  }
0x11: {  	s3 =	sld [smem:$0x3FFC];
	_ =	sdelay $0x3  }
0x12: {  	_ =	strace s3  }
0x13: {  	s3 =	sld [smem:$0x3FFD];
	_ =	sdelay $0x3  }
0x14: {  	_ =	strace s3  }
0x15: {  	_ =	strace $0x8FFFFFFF  }
0x16: {  	s19 =	sld [smem:$0x3FDB];
	_ =	sdelay $0x1  }
0x17: {  	s20 =	simm.s32 $_scs_section_size  }
0x18: {  	s5 =	simm.s32 $_size__tile_overlayer_lowered;
	s6 =	simm.s32 $_tile_overlayer_lowered  }
0x19: {  	s23 =	simm.s32 $0x1BFF;
	s22 =	sshll.u32 s6, $0x1;
	s3 =	sadd.s32 s20, s19  }
0x1a: {  	s7 =	simm.s32 $0x0;
	s21 =	sshll.u32 s5, $0x1;
	s5 =	sadd.s32 s22, s3  }
0x1b: {  	[timem:s7], [sflag:s23] =	dma.local [hbm:s5], s21  }
0x1c: {  	_ =	swait.ge [sflag:s23], s21  }
0x1d: {  	s4 =	ssub.s32 $0x0, s21;
	[sflag:s23] =	ssyncset.done $0x0  }
0x1e: {  	[sflag:s23] =	ssyncadd.s32 s4;
	_ =	sdelay $0x1  }
0x1f: {  	s24 =	simm.s32 $0x1B8B  }
0x20: {  	_ =	swait.ge [sflag:s24], $0x1  }
0x21: {  	[sflag:s24] =	ssyncset.done $0x0  }
0x22: {  	s26 =	simm.s32 $0x1B8E;
	s25 =	sld [smem:$0x3FFE];
	[sflag:s24] =	ssyncadd.s32 $0xFFFFFFFF  }
0x23: {  	s27 =	simm.s32 $execute0_lowered;
	[smem:$0x3FD2] =	sst s26  }
0x24: {  	s5 =	sshll.u32 s27, $0x1;
	_ =	strace $0x80000046;
	[dreg:$0x1] =	wrdreg $0xFFFFFFFF  }
0x25: {  	s28 =	simm.s32 $_size_execute0_lowered;
	s3 =	sadd.s32 s3, s5;
	[dreg:$0x0] =	wrdreg $0x0  }
0x26: {  	s5 =	sshll.u32 s28, $0x1;
	[dreg:$0x2] =	wrdreg s3  }
0x27: {  	[dreg:$0x3] =	wrdreg s5  }
0x28: {  	[dreg:$0x4] =	wrdreg $0xC0  }
0x29: {  	_ =	task [dreg:s7], $0x5FFFF  }
0x2a: {  	[dreg:$0x1] =	wrdreg $0xFFFFFFFF  }
0x2b: {  	[dreg:$0x0] =	wrdreg $0x60  }
0x2c: {  	[dreg:$0x2] =	wrdreg s25  }
0x2d: {  	[dreg:$0x3] =	wrdreg s17  }
0x2e: {  	[dreg:$0x4] =	wrdreg $0x9  }
0x2f: {  	_ =	task.clear_ibuf [dreg:s7], $0x5FFFF;
	_ =	strace $0x90000046  }
0x30: {  	s29 =	simm.s32 $0x9;
	_ =	strace $0x80000048  }
0x31: {  	_ =	swait.ge [sflag:s29], $0x1  }
0x32: {  	[sflag:s29] =	ssyncadd.s32 $0xFFFFFFFF  }
0x33: {  	_ =	strace $0x90000048  }
0x34: {  	_ =	sfence  }
0x35: {  	s30 =	sld [smem:$0x0];
	_ =	sdelay $0x2  }
0x36: {  	s31 =	sshll.u32 s1, $0xD;
	s1 =	sshrl.u32 s1, $0x2  }
0x37: {  	s3 =	sand.u32 $0x4000, s31;
	s1 =	sadd.s32 s1, s30  }
0x38: {  	s0 =	sor.u32 s3, s0;
	s1 =	sshll.u32 s1, $0x11  }
0x39: {  	s0 =	sor.u32 s1, s0  }
0x3a: {  	s0 =	sadd.s32 $0x8F2B, s0  }
0x3b: {  	[sflag:s0] =	ssyncadd.remote.s32 $0x1  }
0x3c: {  	_ =	sfence.sel $0xFFFF  }
0x3d: {  	[dreg:$0x0] =	wrdreg $0xFFFFFFFF;
	(pc) =	sbr.abs _section_cstart, $3  }
0x3e: {  	[dreg:$0x1] =	wrdreg $0xFFFFFFFF  }
0x3f: {  	_ =	task.clear_ibuf [dreg:s7], $0x2FFFF;
	_ =	strace $0x9FFFFFFF  }
0x40: {  	(tm) =	ssettm $0x7FFFFFFF  }
0x41: {  	_ =	shalt  }
tec
execute0_lowered:
.L_overlay_start_1:
0x0: {  	(tag) =	ssettag $0x1  }
0x1: {  	s4 =	rddreg [dreg:$0x0]  }
0x2: {  	s0 =	srdreg.scid;
	s2 =	rddreg [dreg:$0x1]  }
0x3: {  	s1 =	stileid.u32;
	s5 =	simm.s32 $0x1;
	s0 =	sshll.u32 s0, $0x4  }
0x4: {  	s7 =	simm.s32 $0x2;
	s11 =	simm.s32 $0x0;
	s3 =	sand.u32 $0x10, s0  }
.Ltmp0:
0x5: {  	p0 =	por $0x0, $0x0;
	s3 =	sor.u32 s1, s3;
	(pc) =	sbr.rel .LBB1_1-.Ltmp0, $4  }
0x6: {  	s8 =	simm.s32 $0x6DE000;
	s10 =	simm.s32 $0x0;
	s3 =	sshll.u32 s3, $0x7  }
0x7: {  	s0 =	rddreg [dreg:$0x2];
	_ =	strace $0x80000047;
	s6 =	ssub.s32 $0xDBB80, s3  }
0x8: {  	s4 =	sadd.s32 $0xE00, s4;
	[sflag:s5] =	ssyncpa.u1 $0x0;
	s6 =	sshrl.u32 s6, $0xC  }
0x9: {  	[sflag:s7] =	ssyncpa.u1 $0x0;
	s9 =	smov.u32 s3;
	s7 =	sadd.s32 $0x2, s6  }
.LBB1_5:
0xa: {  	s13 =	sadd.s32 $0x1000, s9  }
0xb: {  	p2 =	sgt.s32 s13, $0xDBB9F  }
0xc: {  	s13 =	smov.u32 @p2 s3;
	p2 =	sne.s32 s10, s7  }
.Ltmp1:
0xd: {  	p1 =	slt.u32 s10, $0x2;
	(pc) =	sbr.rel @!p2 .LBB1_6-.Ltmp1, $4  }
0xe: {  	s12 =	simm.s32 @!p1 $0x2  }
0xf: {  	s14 =	sadd.s32 $0x1, s10;
	_ =	swait.ge @!p1 [sflag:s12], $0x2000  }
0x10: {  	s11 =	smov.u32 s9;
	p0 =	por !p0, !p0;
	[sflag:s12] =	ssyncset.done @!p1 $0x0  }
0x11: {  	s10 =	smov.u32 s14;
	s9 =	smov.u32 s13;
	[sflag:s12] =	ssyncadd.s32 @!p1 $0xFFFFE000  }
.LBB1_1:
0x12: {  	p1 =	sgt.u32 s10, s6  }
0x13: {  	s13 =	smov.u32 s9;
	p2 =	sgt.s32 @!p1 s9, $0xDBB20  }
0x14: {  	s12 =	sand.u32 @!p1 $0x1FFFFFF, s9;
	s14 =	sshra.s32 @!p1 s9, $0x1F;
	p2 =	por !p2, p1  }
0x15: {  	s15 =	smulhi.u32 @!p1 $0x25485F3, s12;
	s14 =	sand.u32 @!p1 s14, s9;
	s13 =	simm.s32 @p2 $0xDBB20  }
0x16: {  	s13 =	ssub.s32 @!p1 s13, s14  }
0x17: {  	s14 =	sshrl.u32 @!p1 s15, $0xD;
	s13 =	sadd.s32 @!p1 $0xFFF244E0, s13  }
0x18: {  	s15 =	sxor.u32 @!p1 $0xFFFFFFFF, s10;
	s14 =	smul.u32 @!p1 $0xDBBA0, s14;
	s16 =	sshll.u32 @!p1 s13, $0x8  }
0x19: {  	s15 =	sshll.u32 @!p1 s15, $0xD;
	p2 =	sgt.s32 @!p1 s13, $0x7F;
	s13 =	ssub.s32 @!p1 $0x8000, s16  }
0x1a: {  	s12 =	ssub.s32 @!p1 s12, s14;
	p2 =	por !p2, p1;
	s14 =	sand.u32 @!p1 $0x2000, s15  }
0x1b: {  	s15 =	simm.s32 @!p1 $0x40;
	s13 =	sshrl.u32 @!p1 s13, $0x2;
	s12 =	sshll.u32 @!p1 s12, $0x4  }
0x1c: {  	s16 =	simm.s32 @!p1 $0x80;
	s13 =	simm.s32 @!p2 $0x0;
	s12 =	sadd.s32 @!p1 s4, s12  }
0x1d: {  	[tilespmem:s14], [sflag:$0x1] =	stream.strided.gather @!p1 [hbm4b:s12+s15], s13, s16, s15, $0x38;
	[tilespmem:$0x8080] =	vst v63  }
0x1e: {  	p1 =	seq.s32 s10, $0x0  }
0x1f: {  	p2 =	sge.u32 @!p1 s10, s7  }
0x20: {  	p1 =	por p1, p2  }
.Ltmp2:
0x21: {  	_ = 	snop;
	(pc) =	sbr.rel @p1 .LBB1_5-.Ltmp2, $1  }
0x22: {  	_ =	sdelay $0x3  }
0x23: {  	p1 =	sgt.s32 s11, $0xDBB20;
	s12 =	smov.u32 s11;
	s13 =	sshra.s32 s11, $0x1F  }
0x24: {  	s12 =	simm.s32 @!p1 $0xDBB20;
	s13 =	sand.u32 s13, s11  }
0x25: {  	s12 =	ssub.s32 s12, s13  }
0x26: {  	s12 =	sadd.s32 $0xFFF244E0, s12  }
0x27: {  	s28 =	sshll.u32 s12, $0x8  }
0x28: {  	s13 =	ssub.s32 $0x8000, s28  }
0x29: {  	p1 =	sgt.s32 s12, $0x7F;
	s12 =	sshrl.u32 s13, $0x2  }
0x2a: {  	s13 =	simm.s32 $0x1;
	s12 =	simm.s32 @p1 $0x0  }
0x2b: {  	s13 =	simm.s32 @!p0 $0x0;
	_ =	swait.ge [sflag:s5], s12  }
0x2c: {  	s14 =	sshll.u32 s13, $0xD;
	s12 =	ssub.s32 $0x0, s12;
	[sflag:s5] =	ssyncset.done $0x0  }
0x2d: {  	s16 =	sor.u32 $0x20, s14;
	[sflag:s5] =	ssyncadd.s32 s12  }
0x2e: {  	s29 =	smul.u32 $0x8100, s13;
	v3 =	vld [tilespmem:s16+$0x10]  }
0x2f: {  	s30 =	sand.u32 $0x1, s10;
	v2 =	vld [tilespmem:s16+$0xFFFFFFF0]  }
0x30: {  	s13 =	smul.u32 $0x8100, s30;
	s12 =	sshrl.u32 s29, $0x2;
	v0 =	vld [tilespmem:s16+$0x0]  }
0x31: {  	s14 =	sor.u32 $0x4000, s12;
	v1 =	vld [tilespmem:s16+$0xFFFFFFE0]  }
0x32: {  	s31 =	sshrl.u32 s13, $0x2;
	s13 =	sadd.s32 $0x0, s14  }
0x33: {  	s15 =	simm.s32 $0x4;
	s12 =	sor.u32 $0x4000, s31;
	s16 =	sadd.s32 $0x40, s16;
	[tilespmem:s13+$0x1830 ss:$0x81] =	vst.msk $0xffff, v3  }
.LBB1_3:
0x34: {  	v3 =	vld [tilespmem:s16+$0x10];
	p1 =	sne.s32 s15, $0x1FC;
	[tilespmem:s13+$0x810 ss:$0x81] =	vst.msk $0xffff, v2;
	s17 =	smov.u32 s15;
	s15 =	sadd.s32 $0x4, s15  }
.Ltmp3:
0x35: {  	v2 =	vld [tilespmem:s16+$0xFFFFFFF0];
	[tilespmem:s13+$0x1020 ss:$0x81] =	vst.msk $0xffff, v0;
	(pc) =	sbr.rel @p1 .LBB1_3-.Ltmp3, $4  }
0x36: {  	v0 =	vld [tilespmem:s16+$0x0];
	[tilespmem:s13+$0x0 ss:$0x81] =	vst.msk $0xffff, v1  }
0x37: {  	s13 =	sshra.s32 s17, $0x2;
	v1 =	vld [tilespmem:s16+$0xFFFFFFE0]  }
0x38: {  	s13 =	sadd.s32 s13, s14  }
0x39: {  	s16 =	sadd.s32 $0x40, s16;
	[tilespmem:s13+$0x1830 ss:$0x81] =	vst.msk $0xffff, v3  }
0x3a: {  	s14 =	sshll.u32 s11, $0x3  }
0x3b: {  	s30 =	sand.u32 $0x7F, s11;
	s15 =	sand.u32 $0xFFFFFC00, s14  }
0x3c: {  	s14 =	smulhi.u32 $0x4A8EB527, s14;
	s11 =	sor.u32 s30, s15  }
0x3d: {  	s15 =	smulhi.u32 $0x4A8EB527, s11;
	_ =	sdelay $0x1  }
0x3e: {  	s14 =	sshrl.u32 s14, $0x12;
	s15 =	sshrl.u32 s15, $0x12  }
0x3f: {  	s14 =	sand.u32 $0x3F, s14;
	s15 =	smul.u32 $0xDBC00, s15  }
0x40: {  	s14 =	smul.u32 $0x1B780, s14  }
.Ltmp4:
0x41: {  	s11 =	ssub.s32 s11, s15;
	(pc) =	sbr.rel .LBB1_5-.Ltmp4, $4  }
0x42: {  	[tilespmem:s13+$0x810 ss:$0x81] =	vst.msk $0xffff, v2;
	s15 =	sand.u32 $0x7, s11  }
0x43: {  	[tilespmem:s13+$0x1020 ss:$0x81] =	vst.msk $0xffff, v0;
	s14 =	sadd.s32 s2, s14;
	s11 =	sshrl.u32 s11, $0x3;
	s15 =	sshll.u32 s15, $0x12  }
0x44: {  	[tilespmem:s13+$0x0 ss:$0x81] =	vst.msk $0xffff, v1;
	s11 =	sadd.s32 s11, s14;
	s31 =	sor.u32 $0x400, s15  }
0x45: {  	[hbm4b:s11+s31] =	stream.strided.scatter [tilespmem:s12], [sflag:$0x2], $0x2000, s8, s31, $0x20;
	[tilespmem:$0x8080] =	vst v63  }
.LBB1_6:
0x46: {  	_ =	sfence.sel $0x180000  }
0x47: {  	s2 =	simm.s32 $0x1;
	[bflag:$0x0] =	sbarrier.arrive $0xFFFF  }
0x48: {  	s31 =	simm.s32 $0x2;
	[sflag:s2] =	ssyncpa.u1 $0x1  }
0x49: {  	[sflag:s31] =	ssyncpa.u1 $0x1  }
0x4a: {  	p0 =	sne.s32 s1, $0x0;
	_ =	strace $0x90000047  }
0x4b: {  	s0 =	sadd.s32 @!p0 $0x100000, s0;
	[bflag:$0x2] =	sbarrier.arrive $0xFFFF  }
0x4c: {  	[sflag:s0] =	ssyncadd.tile.s32 @!p0 $0x1;
	_ =	shalt  }
.Lfunc_end1:
_tile_overlayer_lowered:
.L_overlay_start_2:
0x4d: {  	(tag) =	ssettag $0x2  }
0x4e: {  	s0 =	rddreg [dreg:$0x0];
	s2 =	stileid.u32  }
0x4f: {  	s1 =	rddreg [dreg:$0x1];
	p0 =	sne.s32 s2, $0x0  }
0x50: {  	s3 =	rddreg [dreg:$0x2];
	[bflag:$0x3] =	sbarrier.arrive $0xFFFF;
	s2 =	simm.s32 @!p0 $0x1C01  }
0x51: {  	[timem:s3], [sflag:s2] =	dma.local @!p0 [hbm:s0], s1  }
0x52: {  	s0 =	simm.s32 @!p0 $0x1  }
0x53: {  	_ =	swait.ge @!p0 [sflag:s0], s1  }
0x54: {  	s1 =	ssub.s32 @!p0 $0x0, s1;
	[sflag:s0] =	ssyncset.done @!p0 $0x0  }
0x55: {  	[sflag:s0] =	ssyncadd.s32 @!p0 s1  }
0x56: {  	[bflag:$0x3] =	sbarrier.arrive $0xFFFF  }
0x57: {  	_ =	shalt  }

</sc_bundles>
